<compile_context>
chip_gen: v7x
topology: tpu7x:2x2x1
jax: 0.10.2.dev20260603
libtpu: 0.0.44.dev20260713+nightly
codegen_flags: <defaults>
</compile_context>

<pallas_src>
import numpy as np
import jax
import jax.numpy as jnp
from jax import lax
from jax.experimental import pallas as pl
from jax.experimental.pallas import tpu as pltpu

FEAT_STRIDE = 16
B, G = 4, 50
FH, FW = 64, 64
IMG_H, IMG_W = 1024.0, 1024.0
N = FH * FW * 9
NCH = N // 128
CW = 288
NB = NCH // CW
G_PAD = 56


def _gen_base_anchors():
    base = np.array([1, 1, 16, 16], dtype=np.float64) - 1
    w = base[2] - base[0] + 1
    h = base[3] - base[1] + 1
    x_ctr = base[0] + 0.5 * (w - 1)
    y_ctr = base[1] + 0.5 * (h - 1)
    size = w * h
    ratios = np.array([0.5, 1.0, 2.0])
    ws_r = np.round(np.sqrt(size / ratios))
    hs_r = np.round(ws_r * ratios)
    out = []
    for i in range(3):
        scales = np.array([8, 16, 32])
        ws = ws_r[i] * scales
        hs = hs_r[i] * scales
        xc = x_ctr
        yc = y_ctr
        out.append(np.stack([xc - 0.5 * (ws - 1), yc - 0.5 * (hs - 1),
                             xc + 0.5 * (ws - 1), yc + 0.5 * (hs - 1)], axis=1))
    return np.concatenate(out, axis=0)


def _build_anchor_const():
    sx = np.arange(0, FW) * FEAT_STRIDE
    sy = np.arange(0, FH) * FEAT_STRIDE
    mx, my = np.meshgrid(sx, sy)
    shifts = np.stack([mx.ravel(), my.ravel(), mx.ravel(), my.ravel()], axis=1)
    base = _gen_base_anchors()
    allan = (base[None, :, :].astype(np.float32)
             + shifts[:, None, :].astype(np.float32)).reshape(N, 4)
    kept = ((allan[:, 0] >= 0) & (allan[:, 1] >= 0)
            & (allan[:, 2] < IMG_W) & (allan[:, 3] < IMG_H)).astype(np.float32)
    ca = np.zeros((NCH, 8, 128), dtype=np.float32)
    for c in range(4):
        ca[:, c, :] = allan[:, c].reshape(NCH, 128)
    ca[:, 4, :] = kept.reshape(NCH, 128)
    return ca


_CA = _build_anchor_const()


def _subsample_np(labels):
    labels_np = np.asarray(labels).copy()
    rng = np.random.RandomState(0)
    num_pos = 64
    for i in range(labels_np.shape[0]):
        pos_index = np.nonzero(labels_np[i] == 1)[0]
        if pos_index.size > num_pos:
            perm = rng.permutation(pos_index.size)
            disable = pos_index[perm[:pos_index.size - num_pos]]
            labels_np[i][disable] = -1
        num_neg = 128 - int((labels_np[i] == 1).sum())
        neg_index = np.nonzero(labels_np[i] == 0)[0]
        if neg_index.size > num_neg:
            perm = rng.permutation(neg_index.size)
            disable = neg_index[perm[:neg_index.size - num_neg]]
            labels_np[i][disable] = -1
    return labels_np


def _match_kernel(ca_ref, gt_ref, gtc_ref, lab_ref, dx_ref, dy_ref, dw_ref,
                  dh_ref, acc_ref, gmax_ref, iou_ref, oh_ref):
    p = pl.program_id(1)
    j = pl.program_id(2)

    ca = ca_ref[0]
    gt = gt_ref[0]
    gx1 = gt[:, 0:1]
    gy1 = gt[:, 1:2]
    gx2 = gt[:, 2:3]
    gy2 = gt[:, 3:4]
    area_g = (gx2 - gx1 + 1.0) * (gy2 - gy1 + 1.0)

    def chunk_iou(k):
        sl = slice(k * 128, (k + 1) * 128)
        ax1 = ca[0:1, sl]
        ay1 = ca[1:2, sl]
        ax2 = ca[2:3, sl]
        ay2 = ca[3:4, sl]
        kept = ca[4:5, sl]
        iw = jnp.maximum(jnp.minimum(ax2, gx2) - jnp.maximum(ax1, gx1) + 1.0,
                         0.0)
        ih = jnp.maximum(jnp.minimum(ay2, gy2) - jnp.maximum(ay1, gy1) + 1.0,
                         0.0)
        inter = iw * ih
        area_a = (ax2 - ax1 + 1.0) * (ay2 - ay1 + 1.0)
        iou = inter / (area_a + area_g - inter)
        iou = jnp.where(kept > 0.0, iou, 0.0)
        return iou, ax1, ay1, ax2, ay2, kept

    @pl.when(p == 0)
    def _phase0():
        ious = []
        for k in range(CW):
            iou_k = chunk_iou(k)[0]
            iou_ref[j * CW + k] = iou_k
            ious.append(iou_k)
        m = ious[0]
        for k in range(1, CW):
            m = jnp.maximum(m, ious[k])

        @pl.when(j == 0)
        def _init():
            acc_ref[...] = m

        @pl.when(j > 0)
        def _acc():
            acc_ref[...] = jnp.maximum(acc_ref[...], m)

    @pl.when(p == 1)
    def _phase1():
        @pl.when(j == 0)
        def _fix():
            gm = jnp.max(acc_ref[...], axis=1, keepdims=True)
            gm = jnp.where(gm == 0.0, 1e-5, gm)
            gmax_ref[...] = jnp.broadcast_to(gm, (G_PAD, 128))

        gmax = gmax_ref[:, 0:1]
        iotag = lax.broadcasted_iota(
            jnp.int32, (G_PAD, 128), 0).astype(jnp.float32)
        gtc = gtc_ref[0]

        for k in range(CW):
            sl = slice(k * 128, (k + 1) * 128)
            kept = ca[4:5, sl]
            iou = iou_ref[j * CW + k]
            tmax = jnp.max(iou - gmax, axis=0, keepdims=True)
            mx = jnp.max(iou, axis=0, keepdims=True)

            sel_mask = iou == mx
            argf = jnp.min(jnp.where(sel_mask, iotag, 1e9), axis=0,
                           keepdims=True)
            oh_ref[:, sl] = jnp.where(iotag == argf, 1.0, 0.0)

            keptb = kept > 0.0
            lab = jnp.where(tmax == 0.0, 1.0, -1.0)
            lab = jnp.where(mx >= 0.7, 1.0, lab)
            lab = jnp.where(mx < 0.3, 0.0, lab)
            lab = jnp.where(keptb, lab, -1.0)
            lab_ref[0, 0, :, sl] = lab

        selM = lax.dot_general(gtc, oh_ref[...], (((1,), (0,)), ((), ())),
                               precision=lax.Precision.HIGHEST)

        for k in range(CW):
            sl = slice(k * 128, (k + 1) * 128)
            ax1 = ca[0:1, sl]
            ay1 = ca[1:2, sl]
            ax2 = ca[2:3, sl]
            ay2 = ca[3:4, sl]
            kept = ca[4:5, sl]
            sx1 = selM[0:1, sl]
            sy1 = selM[1:2, sl]
            sx2 = selM[2:3, sl]
            sy2 = selM[3:4, sl]

            aw = ax2 - ax1 + 1.0
            ah = ay2 - ay1 + 1.0
            axc = ax1 + 0.5 * aw
            ayc = ay1 + 0.5 * ah
            gw = sx2 - sx1 + 1.0
            gh = sy2 - sy1 + 1.0
            gxc = sx1 + 0.5 * gw
            gyc = sy1 + 0.5 * gh
            keptb = kept > 0.0
            dx = jnp.where(keptb, (gxc - axc) / aw, 0.0)
            dy = jnp.where(keptb, (gyc - ayc) / ah, 0.0)
            dw = jnp.where(keptb, jnp.log(gw / aw), 0.0)
            dh = jnp.where(keptb, jnp.log(gh / ah), 0.0)

            dx_ref[0, 0, :, sl] = dx
            dy_ref[0, 0, :, sl] = dy
            dw_ref[0, 0, :, sl] = dw
            dh_ref[0, 0, :, sl] = dh


def _weights_kernel(lab_ref, inside_ref, outside_ref):
    lab = lab_ref[...]
    cnt = jnp.sum(jnp.where(lab >= 0.0, 1.0, 0.0))
    w = 1.0 / cnt
    inside_ref[...] = jnp.where(lab == 1.0, 1.0, 0.0)
    outside_ref[...] = jnp.where((lab == 1.0) | (lab == 0.0), w, 0.0)


def kernel(rpn_cls_score, gt_bboxes, image_info, num_boxes):
    del rpn_cls_score, image_info, num_boxes
    return (_sc_probe(gt_bboxes),)

    gtco = gt_bboxes[:, :, :4]
    pad_g = jnp.full((B, G_PAD - G, 4), -4000.0, dtype=jnp.float32)
    gtt = jnp.concatenate([gtco, pad_g], axis=1)
    gtcoords = jnp.concatenate(
        [gtt, jnp.zeros((B, G_PAD, 4), jnp.float32)],
        axis=2).transpose(0, 2, 1)
    gtt = jnp.pad(gtt, ((0, 0), (0, 0), (0, 4)))

    ca = jnp.asarray(
        _CA.reshape(NB, CW, 8, 128).transpose(0, 2, 1, 3).reshape(
            NB, 8, CW * 128))

    out_shape = [jax.ShapeDtypeStruct((B, NB, 1, CW * 128), jnp.float32)
                 for _ in range(5)]
    blk = pl.BlockSpec((1, 1, 1, CW * 128), lambda b, p, j: (b, j * p, 0, 0))
    lab, dx, dy, dw, dh = pl.pallas_call(
        _match_kernel,
        grid=(B, 2, NB),
        in_specs=[
            pl.BlockSpec((1, 8, CW * 128), lambda b, p, j: (j, 0, 0)),
            pl.BlockSpec((1, G_PAD, 8), lambda b, p, j: (b, 0, 0)),
            pl.BlockSpec((1, 8, G_PAD), lambda b, p, j: (b, 0, 0)),
        ],
        out_specs=[blk, blk, blk, blk, blk],
        out_shape=out_shape,
        scratch_shapes=[
            pltpu.VMEM((G_PAD, 128), jnp.float32),
            pltpu.VMEM((G_PAD, 128), jnp.float32),
            pltpu.VMEM((NCH, G_PAD, 128), jnp.float32),
            pltpu.VMEM((G_PAD, CW * 128), jnp.float32),
        ],
    )(ca, gtt, gtcoords)

    labels = lab.reshape(B, N)
    labels = jax.pure_callback(
        _subsample_np, jax.ShapeDtypeStruct((B, N), jnp.float32), labels)

    inside, outside = pl.pallas_call(
        _weights_kernel,
        out_shape=[jax.ShapeDtypeStruct((B, N), jnp.float32),
                   jax.ShapeDtypeStruct((B, N), jnp.float32)],
    )(labels)

    targets = jnp.stack([dx.reshape(B, N), dy.reshape(B, N),
                         dw.reshape(B, N), dh.reshape(B, N)], axis=2)
    return labels, targets, inside, outside


import functools
from jax.experimental.pallas import tpu_sc as plsc

_PW = N // 32


def _sc_probe_kernel(ax1_h, ay1_h, ax2_h, ay2_h, gt_h, out_h,
                     ax1_v, ay1_v, ax2_v, ay2_v, gt_v, mx_v):
    wid = lax.axis_index("s") * 2 + lax.axis_index("c")
    base = wid * _PW
    pltpu.sync_copy(ax1_h.at[pl.ds(base, _PW)], ax1_v)
    pltpu.sync_copy(ay1_h.at[pl.ds(base, _PW)], ay1_v)
    pltpu.sync_copy(ax2_h.at[pl.ds(base, _PW)], ax2_v)
    pltpu.sync_copy(ay2_h.at[pl.ds(base, _PW)], ay2_v)
    pltpu.sync_copy(gt_h, gt_v)

    def outer(i, carry):
        sl = pl.ds(i * 16, 16)
        a1 = ax1_v[sl]
        b1 = ay1_v[sl]
        a2 = ax2_v[sl]
        b2 = ay2_v[sl]
        area_a = (a2 - a1 + 1.0) * (b2 - b1 + 1.0)

        def inner(g, mx):
            gx1 = jnp.reshape(gt_v[pl.ds(g * 4 + 0, 1), :], (16,))
            gy1 = jnp.reshape(gt_v[pl.ds(g * 4 + 1, 1), :], (16,))
            gx2 = jnp.reshape(gt_v[pl.ds(g * 4 + 2, 1), :], (16,))
            gy2 = jnp.reshape(gt_v[pl.ds(g * 4 + 3, 1), :], (16,))
            iw = jnp.maximum(
                jnp.minimum(a2, gx2) - jnp.maximum(a1, gx1) + 1.0, 0.0)
            ih = jnp.maximum(
                jnp.minimum(b2, gy2) - jnp.maximum(b1, gy1) + 1.0, 0.0)
            inter = iw * ih
            area_g = (gx2 - gx1 + 1.0) * (gy2 - gy1 + 1.0)
            iou = inter / (area_a + area_g - inter)
            return jnp.maximum(mx, iou)

        mx = lax.fori_loop(0, G, inner, jnp.zeros((16,), jnp.float32))
        mx_v[sl] = mx
        return carry

    lax.fori_loop(0, _PW // 16, outer, 0)
    pltpu.sync_copy(mx_v, out_h.at[pl.ds(base, _PW)])


def _sc_probe(gt_bboxes):
    anch = jnp.asarray(
        _CA.reshape(NCH, 8, 128).transpose(1, 0, 2).reshape(8, N))
    gtb = jnp.broadcast_to(
        gt_bboxes[0, :, :4].reshape(G * 4, 1), (G * 4, 16)).astype(jnp.float32)
    mesh = plsc.VectorSubcoreMesh(core_axis_name="c", subcore_axis_name="s")
    k = functools.partial(
        pl.kernel,
        mesh=mesh,
        out_type=jax.ShapeDtypeStruct((N,), jnp.float32),
        scratch_types=[
            pltpu.VMEM((_PW,), jnp.float32),
            pltpu.VMEM((_PW,), jnp.float32),
            pltpu.VMEM((_PW,), jnp.float32),
            pltpu.VMEM((_PW,), jnp.float32),
            pltpu.VMEM((G * 4, 16), jnp.float32),
            pltpu.VMEM((_PW,), jnp.float32),
        ],
    )(_sc_probe_kernel)
    return k(anch[0], anch[1], anch[2], anch[3], gtb)

# --- scband reference (transcript-rebuilt; emitter-appended) ---
"""Pipeline reference for scband-anchor-target-layer-63187558858813 (READ-ONLY COPY).

The authoritative reference and input builder live on the scoring server;
editing this copy changes nothing except your own understanding.
"""

import jax, jax.numpy as jnp
import numpy as np

FEAT_STRIDE = 16
SCALES = np.array([8, 16, 32])
RATIOS = np.array([0.5, 1.0, 2.0])
B, G = 4, 50
FH, FW = 64, 64
IMG_H, IMG_W = 1024.0, 1024.0

def _whctrs(anchor):
    w = anchor[2] - anchor[0] + 1
    h = anchor[3] - anchor[1] + 1
    x_ctr = anchor[0] + 0.5 * (w - 1)
    y_ctr = anchor[1] + 0.5 * (h - 1)
    return w, h, x_ctr, y_ctr

def _mkanchors(ws, hs, x_ctr, y_ctr):
    ws = ws[:, np.newaxis]; hs = hs[:, np.newaxis]
    return np.hstack((x_ctr - 0.5 * (ws - 1), y_ctr - 0.5 * (hs - 1), x_ctr + 0.5 * (ws - 1), y_ctr + 0.5 * (hs - 1)))

def _ratio_enum(anchor, ratios):
    w, h, x_ctr, y_ctr = _whctrs(anchor)
    size = w * h
    size_ratios = size / ratios
    ws = np.round(np.sqrt(size_ratios))
    hs = np.round(ws * ratios)
    return _mkanchors(ws, hs, x_ctr, y_ctr)

def _scale_enum(anchor, scales):
    w, h, x_ctr, y_ctr = _whctrs(anchor)
    ws = w * scales; hs = h * scales
    return _mkanchors(ws, hs, x_ctr, y_ctr)

def generate_anchors(base_size=16, ratios=RATIOS, scales=SCALES):
    base_anchor = np.array([1, 1, base_size, base_size], dtype=np.float64) - 1
    ratio_anchors = _ratio_enum(base_anchor, ratios)
    return np.vstack([_scale_enum(ratio_anchors[i, :], scales) for i in range(ratio_anchors.shape[0])])

def iou_bbox(anchors, gt_bboxes):
    ax1 = anchors[:, 0][None, :, None]; ay1 = anchors[:, 1][None, :, None]
    ax2 = anchors[:, 2][None, :, None]; ay2 = anchors[:, 3][None, :, None]
    gx1 = gt_bboxes[:, None, :, 0]; gy1 = gt_bboxes[:, None, :, 1]
    gx2 = gt_bboxes[:, None, :, 2]; gy2 = gt_bboxes[:, None, :, 3]
    iw = jnp.maximum(jnp.minimum(ax2, gx2) - jnp.maximum(ax1, gx1) + 1.0, 0.0)
    ih = jnp.maximum(jnp.minimum(ay2, gy2) - jnp.maximum(ay1, gy1) + 1.0, 0.0)
    inter = iw * ih
    area_a = (ax2 - ax1 + 1.0) * (ay2 - ay1 + 1.0)
    area_g = (gx2 - gx1 + 1.0) * (gy2 - gy1 + 1.0)
    return inter / (area_a + area_g - inter)

def transform_bbox(anchors, gt):
    aw = (anchors[:, 2] - anchors[:, 0] + 1.0)[None, :]
    ah = (anchors[:, 3] - anchors[:, 1] + 1.0)[None, :]
    ax = anchors[:, 0][None, :] + 0.5 * aw
    ay = anchors[:, 1][None, :] + 0.5 * ah
    gw = gt[:, :, 2] - gt[:, :, 0] + 1.0
    gh = gt[:, :, 3] - gt[:, :, 1] + 1.0
    gx = gt[:, :, 0] + 0.5 * gw
    gy = gt[:, :, 1] + 0.5 * gh
    dx = (gx - ax) / aw
    dy = (gy - ay) / ah
    dw = jnp.log(gw / aw)
    dh = jnp.log(gh / ah)
    return jnp.stack([dx, dy, dw, dh], axis=2)

def unmap(data, count, index, batch_size, fill):
    if data.ndim == 2:
        ret = jnp.full((batch_size, count), fill, dtype=data.dtype)
        return ret.at[:, index].set(data)
    ret = jnp.full((batch_size, count, data.shape[2]), fill, dtype=data.dtype)
    return ret.at[:, index, :].set(data)

def _subsample_labels(labels):
    labels_np = np.asarray(labels).copy()
    rng = np.random.RandomState(0)
    num_pos = 64
    for i in range(labels_np.shape[0]):
        pos_index = np.nonzero(labels_np[i] == 1)[0]
        if pos_index.size > num_pos:
            perm = rng.permutation(pos_index.size)
            disable = pos_index[perm[:pos_index.size - num_pos]]
            labels_np[i][disable] = -1
        num_neg = 128 - int((labels_np[i] == 1).sum())
        neg_index = np.nonzero(labels_np[i] == 0)[0]
        if neg_index.size > num_neg:
            perm = rng.permutation(neg_index.size)
            disable = neg_index[perm[:neg_index.size - num_neg]]
            labels_np[i][disable] = -1
    return labels_np

def setup_inputs(seed: int = 0) -> dict:
    key = jax.random.key(seed)
    k1, k2, k3, k4, k5 = jax.random.split(key, 5)
    rpn_cls_score = jax.random.normal(k1, (B, 18, FH, FW), dtype=jnp.float32)
    x1 = jax.random.uniform(k2, (B, G)) * 880.0
    y1 = jax.random.uniform(k3, (B, G)) * 880.0
    w = jax.random.uniform(k4, (B, G)) * 120.0 + 8.0
    h = jax.random.uniform(k5, (B, G)) * 120.0 + 8.0
    cls = jnp.ones((B, G))
    gt_bboxes = jnp.stack([x1, y1, x1 + w, y1 + h, cls], axis=2).astype(jnp.float32)
    image_info = jnp.tile(jnp.array([[IMG_H, IMG_W, 1.0]], dtype=jnp.float32), (B, 1))
    num_boxes = jnp.full((B,), G, dtype=jnp.int32)
    return {"rpn_cls_score": rpn_cls_score, "gt_bboxes": gt_bboxes, "image_info": image_info, "num_boxes": num_boxes}

def reference(rpn_cls_score, gt_bboxes, image_info, num_boxes):
    batch_size = rpn_cls_score.shape[0]
    feat_h, feat_w = rpn_cls_score.shape[2], rpn_cls_score.shape[3]
    shift_x = np.arange(0, feat_w) * FEAT_STRIDE
    shift_y = np.arange(0, feat_h) * FEAT_STRIDE
    sx, sy = np.meshgrid(shift_x, shift_y)
    shifts_np = np.vstack((sx.ravel(), sy.ravel(), sx.ravel(), sy.ravel())).transpose()
    shifts = jnp.asarray(shifts_np, dtype=jnp.float32)
    base_np = generate_anchors()
    base = jnp.asarray(base_np, dtype=jnp.float32)
    A = base.shape[0]; K = shifts.shape[0]
    all_anchors = (base[None, :, :] + shifts[:, None, :]).reshape(K * A, 4)
    total_anchors = int(K * A)
    img_h = image_info[0][0]; img_w = image_info[0][1]
    all_anchors_np = (base_np[None, :, :].astype(np.float32) + shifts_np[:, None, :].astype(np.float32)).reshape(K * A, 4)
    keep_np = (all_anchors_np[:, 0] >= 0) & (all_anchors_np[:, 1] >= 0) & (all_anchors_np[:, 2] < IMG_W) & (all_anchors_np[:, 3] < IMG_H)
    keep_index = np.nonzero(keep_np)[0]
    keep = (all_anchors[:, 0] >= 0) & (all_anchors[:, 1] >= 0) & (all_anchors[:, 2] < img_w) & (all_anchors[:, 3] < img_h)
    anchors = jnp.where(keep[keep_index][:, None], all_anchors[keep_index, :], 0.0)
    nk = int(keep_index.shape[0])
    labels = jnp.full((batch_size, nk), -1.0, dtype=jnp.float32)
    ious = iou_bbox(anchors, gt_bboxes)
    max_ious = jnp.max(ious, axis=2)
    argmax_ious = jnp.argmax(ious, axis=2)
    gt_max_ious = jnp.max(ious, axis=1)
    gt_max_ious = jnp.where(gt_max_ious == 0, 1e-05, gt_max_ious)
    keep_cnt = jnp.sum((ious == gt_max_ious[:, None, :]).astype(jnp.int32), axis=2)
    labels = jnp.where(keep_cnt > 0, 1.0, labels)
    labels = jnp.where(max_ious >= 0.7, 1.0, labels)
    labels = jnp.where(max_ious < 0.3, 0.0, labels)
    labels = jax.pure_callback(_subsample_labels, jax.ShapeDtypeStruct(labels.shape, labels.dtype), labels)
    offset = jnp.arange(0, batch_size) * gt_bboxes.shape[1]
    argmax_flat = (argmax_ious + offset[:, None]).reshape(-1)
    selected = gt_bboxes.reshape(-1, 5)[argmax_flat, :].reshape(batch_size, -1, 5)
    bbox_targets = transform_bbox(anchors, selected)
    bbox_inside = jnp.where(labels == 1.0, 1.0, 0.0).astype(jnp.float32)
    num_examples = jnp.sum(labels >= 0)
    weights = 1.0 / num_examples
    bbox_outside = jnp.where((labels == 1.0) | (labels == 0.0), weights, 0.0).astype(jnp.float32)
    labels_u = unmap(labels, total_anchors, keep_index, batch_size, -1.0)
    targets_u = unmap(bbox_targets, total_anchors, keep_index, batch_size, 0.0)
    inside_u = unmap(bbox_inside, total_anchors, keep_index, batch_size, 0.0)
    outside_u = unmap(bbox_outside, total_anchors, keep_index, batch_size, 0.0)
    return (labels_u, targets_u, inside_u, outside_u)

if __name__ == "__main__":
    import jax
    _d = setup_inputs()
    print(jax.jit(kernel)(*tuple(_d.values())))

</pallas_src>

<mosaic_0001>
#map = affine_map<(d0, d1) -> (0)>
#map1 = affine_map<(d0, d1) -> (0, 0)>
module attributes {stable_mosaic.version = 14 : i64} {
  func.func @_sc_probe_kernel(%arg0: i32, %arg1: i32, %arg2: memref<36864xf32, #tpu.memory_space<hbm>>, %arg3: memref<36864xf32, #tpu.memory_space<hbm>>, %arg4: memref<36864xf32, #tpu.memory_space<hbm>>, %arg5: memref<36864xf32, #tpu.memory_space<hbm>>, %arg6: memref<200x16xf32, #tpu.memory_space<hbm>>, %arg7: memref<36864xf32, #tpu.memory_space<hbm>>, %arg8: memref<1152xf32, #tpu.memory_space<vmem>>, %arg9: memref<1152xf32, #tpu.memory_space<vmem>>, %arg10: memref<1152xf32, #tpu.memory_space<vmem>>, %arg11: memref<1152xf32, #tpu.memory_space<vmem>>, %arg12: memref<200x16xf32, #tpu.memory_space<vmem>>, %arg13: memref<1152xf32, #tpu.memory_space<vmem>>) attributes {dimension_semantics = [#tpu.dimension_semantics<core_parallel>, #tpu.dimension_semantics<subcore_parallel>], iteration_bounds = array<i64: 2, 16>, scalar_prefetch = 0 : i64, scratch_operands = 6 : i64, tpu.core_type = #tpu.core_type<sc_vector_subcore>, window_params = [{transform_indices = #map}, {transform_indices = #map}, {transform_indices = #map}, {transform_indices = #map}, {transform_indices = #map1}, {transform_indices = #map}]} {
    %mul3A = arith.constant 2 : i32
    %mul3A_0 = arith.muli %arg1, %mul3A : i32
    %add3A = arith.addi %mul3A_0, %arg0 : i32
    %mul3A_1 = arith.constant 1152 : i32
    %mul3A_2 = arith.muli %add3A, %mul3A_1 : i32
    "tpu.region"() ({
      %run_scoped3A = tpu.sem_alloc : memref<!tpu.dma_semaphore, #tpu.memory_space<semaphore_mem>>
      %dma_start3A = tpu.memref_slice %arg2[%mul3A_2] : memref<36864xf32, #tpu.memory_space<hbm>> -> memref<1152xf32, #tpu.memory_space<hbm>>
      %dma_start3A_8 = tpu.memref_slice %arg2[%mul3A_2] : memref<36864xf32, #tpu.memory_space<hbm>> -> memref<1152xf32, #tpu.memory_space<hbm>>
      tpu.enqueue_dma source(%dma_start3A_8 : memref<1152xf32, #tpu.memory_space<hbm>>) target(%arg8 : memref<1152xf32, #tpu.memory_space<vmem>>) target_semaphore(%run_scoped3A : memref<!tpu.dma_semaphore, #tpu.memory_space<semaphore_mem>>)
      %dma_wait3A = tpu.memref_slice %arg2[%mul3A_2] : memref<36864xf32, #tpu.memory_space<hbm>> -> memref<1152xf32, #tpu.memory_space<hbm>>
      %dma_wait3A_9 = tpu.memref_slice %arg2[%mul3A_2] : memref<36864xf32, #tpu.memory_space<hbm>> -> memref<1152xf32, #tpu.memory_space<hbm>>
      tpu.wait_dma2 semaphore(%run_scoped3A : memref<!tpu.dma_semaphore, #tpu.memory_space<semaphore_mem>>) src(%dma_wait3A_9 : memref<1152xf32, #tpu.memory_space<hbm>>) dst(%arg8 : memref<1152xf32, #tpu.memory_space<vmem>>)
      tpu.yield
    }) : () -> ()
    "tpu.region"() ({
      %run_scoped3A = tpu.sem_alloc : memref<!tpu.dma_semaphore, #tpu.memory_space<semaphore_mem>>
      %dma_start3A = tpu.memref_slice %arg3[%mul3A_2] : memref<36864xf32, #tpu.memory_space<hbm>> -> memref<1152xf32, #tpu.memory_space<hbm>>
      %dma_start3A_8 = tpu.memref_slice %arg3[%mul3A_2] : memref<36864xf32, #tpu.memory_space<hbm>> -> memref<1152xf32, #tpu.memory_space<hbm>>
      tpu.enqueue_dma source(%dma_start3A_8 : memref<1152xf32, #tpu.memory_space<hbm>>) target(%arg9 : memref<1152xf32, #tpu.memory_space<vmem>>) target_semaphore(%run_scoped3A : memref<!tpu.dma_semaphore, #tpu.memory_space<semaphore_mem>>)
      %dma_wait3A = tpu.memref_slice %arg3[%mul3A_2] : memref<36864xf32, #tpu.memory_space<hbm>> -> memref<1152xf32, #tpu.memory_space<hbm>>
      %dma_wait3A_9 = tpu.memref_slice %arg3[%mul3A_2] : memref<36864xf32, #tpu.memory_space<hbm>> -> memref<1152xf32, #tpu.memory_space<hbm>>
      tpu.wait_dma2 semaphore(%run_scoped3A : memref<!tpu.dma_semaphore, #tpu.memory_space<semaphore_mem>>) src(%dma_wait3A_9 : memref<1152xf32, #tpu.memory_space<hbm>>) dst(%arg9 : memref<1152xf32, #tpu.memory_space<vmem>>)
      tpu.yield
    }) : () -> ()
    "tpu.region"() ({
      %run_scoped3A = tpu.sem_alloc : memref<!tpu.dma_semaphore, #tpu.memory_space<semaphore_mem>>
      %dma_start3A = tpu.memref_slice %arg4[%mul3A_2] : memref<36864xf32, #tpu.memory_space<hbm>> -> memref<1152xf32, #tpu.memory_space<hbm>>
      %dma_start3A_8 = tpu.memref_slice %arg4[%mul3A_2] : memref<36864xf32, #tpu.memory_space<hbm>> -> memref<1152xf32, #tpu.memory_space<hbm>>
      tpu.enqueue_dma source(%dma_start3A_8 : memref<1152xf32, #tpu.memory_space<hbm>>) target(%arg10 : memref<1152xf32, #tpu.memory_space<vmem>>) target_semaphore(%run_scoped3A : memref<!tpu.dma_semaphore, #tpu.memory_space<semaphore_mem>>)
      %dma_wait3A = tpu.memref_slice %arg4[%mul3A_2] : memref<36864xf32, #tpu.memory_space<hbm>> -> memref<1152xf32, #tpu.memory_space<hbm>>
      %dma_wait3A_9 = tpu.memref_slice %arg4[%mul3A_2] : memref<36864xf32, #tpu.memory_space<hbm>> -> memref<1152xf32, #tpu.memory_space<hbm>>
      tpu.wait_dma2 semaphore(%run_scoped3A : memref<!tpu.dma_semaphore, #tpu.memory_space<semaphore_mem>>) src(%dma_wait3A_9 : memref<1152xf32, #tpu.memory_space<hbm>>) dst(%arg10 : memref<1152xf32, #tpu.memory_space<vmem>>)
      tpu.yield
    }) : () -> ()
    "tpu.region"() ({
      %run_scoped3A = tpu.sem_alloc : memref<!tpu.dma_semaphore, #tpu.memory_space<semaphore_mem>>
      %dma_start3A = tpu.memref_slice %arg5[%mul3A_2] : memref<36864xf32, #tpu.memory_space<hbm>> -> memref<1152xf32, #tpu.memory_space<hbm>>
      %dma_start3A_8 = tpu.memref_slice %arg5[%mul3A_2] : memref<36864xf32, #tpu.memory_space<hbm>> -> memref<1152xf32, #tpu.memory_space<hbm>>
      tpu.enqueue_dma source(%dma_start3A_8 : memref<1152xf32, #tpu.memory_space<hbm>>) target(%arg11 : memref<1152xf32, #tpu.memory_space<vmem>>) target_semaphore(%run_scoped3A : memref<!tpu.dma_semaphore, #tpu.memory_space<semaphore_mem>>)
      %dma_wait3A = tpu.memref_slice %arg5[%mul3A_2] : memref<36864xf32, #tpu.memory_space<hbm>> -> memref<1152xf32, #tpu.memory_space<hbm>>
      %dma_wait3A_9 = tpu.memref_slice %arg5[%mul3A_2] : memref<36864xf32, #tpu.memory_space<hbm>> -> memref<1152xf32, #tpu.memory_space<hbm>>
      tpu.wait_dma2 semaphore(%run_scoped3A : memref<!tpu.dma_semaphore, #tpu.memory_space<semaphore_mem>>) src(%dma_wait3A_9 : memref<1152xf32, #tpu.memory_space<hbm>>) dst(%arg11 : memref<1152xf32, #tpu.memory_space<vmem>>)
      tpu.yield
    }) : () -> ()
    "tpu.region"() ({
      %run_scoped3A = tpu.sem_alloc : memref<!tpu.dma_semaphore, #tpu.memory_space<semaphore_mem>>
      tpu.enqueue_dma source(%arg6 : memref<200x16xf32, #tpu.memory_space<hbm>>) target(%arg12 : memref<200x16xf32, #tpu.memory_space<vmem>>) target_semaphore(%run_scoped3A : memref<!tpu.dma_semaphore, #tpu.memory_space<semaphore_mem>>)
      tpu.wait_dma2 semaphore(%run_scoped3A : memref<!tpu.dma_semaphore, #tpu.memory_space<semaphore_mem>>) src(%arg6 : memref<200x16xf32, #tpu.memory_space<hbm>>) dst(%arg12 : memref<200x16xf32, #tpu.memory_space<vmem>>)
      tpu.yield
    }) : () -> ()
    %scan3A = arith.constant 0 : i32
    %scan3A_3 = arith.constant 0 : i32
    %scan3A_4 = arith.constant 72 : i32
    %scan3A_5 = arith.addi %scan3A_3, %scan3A_4 : i32
    %scan3A_6 = arith.constant 1 : i32
    scf.for %scan3A_8 = %scan3A_3 to %scan3A_5 step %scan3A_6  : i32 {
      %mul3A_9 = arith.constant 16 : i32
      %mul3A_10 = arith.muli %scan3A_8, %mul3A_9 : i32
      %get3A = arith.index_cast %mul3A_10 : i32 to index
      %get3A_11 = tpu.vector_load %arg8[%get3A] {strides = array<i32>} : memref<1152xf32, #tpu.memory_space<vmem>>, vector<16xf32>,
      %get3A_12 = vector.shape_cast %get3A_11 : vector<16xf32> to vector<16xf32>
      %get3A_13 = arith.index_cast %mul3A_10 : i32 to index
      %get3A_14 = tpu.vector_load %arg9[%get3A_13] {strides = array<i32>} : memref<1152xf32, #tpu.memory_space<vmem>>, vector<16xf32>,
      %get3A_15 = vector.shape_cast %get3A_14 : vector<16xf32> to vector<16xf32>
      %get3A_16 = arith.index_cast %mul3A_10 : i32 to index
      %get3A_17 = tpu.vector_load %arg10[%get3A_16] {strides = array<i32>} : memref<1152xf32, #tpu.memory_space<vmem>>, vector<16xf32>,
      %get3A_18 = vector.shape_cast %get3A_17 : vector<16xf32> to vector<16xf32>
      %get3A_19 = arith.index_cast %mul3A_10 : i32 to index
      %get3A_20 = tpu.vector_load %arg11[%get3A_19] {strides = array<i32>} : memref<1152xf32, #tpu.memory_space<vmem>>, vector<16xf32>,
      %get3A_21 = vector.shape_cast %get3A_20 : vector<16xf32> to vector<16xf32>
      %sub3A = arith.subf %get3A_18, %get3A_12 : vector<16xf32>
      %add3A_22 = arith.constant 1.000000e+00 : f32
      %add3A_23 = vector.broadcast %add3A_22 : f32 to vector<16xf32>
      %add3A_24 = arith.addf %sub3A, %add3A_23 : vector<16xf32>
      %sub3A_25 = arith.subf %get3A_21, %get3A_15 : vector<16xf32>
      %add3A_26 = arith.constant 1.000000e+00 : f32
      %add3A_27 = vector.broadcast %add3A_26 : f32 to vector<16xf32>
      %add3A_28 = arith.addf %sub3A_25, %add3A_27 : vector<16xf32>
      %mul3A_29 = arith.mulf %add3A_24, %add3A_28 : vector<16xf32>
      %broadcast_in_dim3A = arith.constant 0.000000e+00 : f32
      %broadcast_in_dim3A_30 = vector.broadcast %broadcast_in_dim3A : f32 to vector<16xf32>
      %scan3A_31 = arith.constant 0 : i32
      %scan3A_32 = arith.constant 50 : i32
      %scan3A_33 = arith.addi %scan3A_31, %scan3A_32 : i32
      %scan3A_34 = arith.constant 1 : i32
      %scan3A_35 = scf.for %scan3A_40 = %scan3A_31 to %scan3A_33 step %scan3A_34 iter_args(%scan3A_41 = %broadcast_in_dim3A_30) -> (vector<16xf32>)  : i32 {
        %mul3A_42 = arith.constant 4 : i32
        %mul3A_43 = arith.muli %scan3A_40, %mul3A_42 : i32
        %add3A_44 = arith.constant 0 : i32
        %add3A_45 = arith.addi %mul3A_43, %add3A_44 : i32
        %get3A_46 = arith.index_cast %add3A_45 : i32 to index
        %get3A_47 = arith.constant 0 : index
        %get3A_48 = tpu.vector_load %arg12[%get3A_46, %get3A_47] {strides = array<i32>} : memref<200x16xf32, #tpu.memory_space<vmem>>, vector<1x16xf32>,
        %get3A_49 = vector.shape_cast %get3A_48 : vector<1x16xf32> to vector<1x16xf32>
        %reshape3A = vector.shape_cast %get3A_49 : vector<1x16xf32> to vector<16xf32>
        %mul3A_50 = arith.constant 4 : i32
        %mul3A_51 = arith.muli %scan3A_40, %mul3A_50 : i32
        %add3A_52 = arith.constant 1 : i32
        %add3A_53 = arith.addi %mul3A_51, %add3A_52 : i32
        %get3A_54 = arith.index_cast %add3A_53 : i32 to index
        %get3A_55 = arith.constant 0 : index
        %get3A_56 = tpu.vector_load %arg12[%get3A_54, %get3A_55] {strides = array<i32>} : memref<200x16xf32, #tpu.memory_space<vmem>>, vector<1x16xf32>,
        %get3A_57 = vector.shape_cast %get3A_56 : vector<1x16xf32> to vector<1x16xf32>
        %reshape3A_58 = vector.shape_cast %get3A_57 : vector<1x16xf32> to vector<16xf32>
        %mul3A_59 = arith.constant 4 : i32
        %mul3A_60 = arith.muli %scan3A_40, %mul3A_59 : i32
        %add3A_61 = arith.constant 2 : i32
        %add3A_62 = arith.addi %mul3A_60, %add3A_61 : i32
        %get3A_63 = arith.index_cast %add3A_62 : i32 to index
        %get3A_64 = arith.constant 0 : index
        %get3A_65 = tpu.vector_load %arg12[%get3A_63, %get3A_64] {strides = array<i32>} : memref<200x16xf32, #tpu.memory_space<vmem>>, vector<1x16xf32>,
        %get3A_66 = vector.shape_cast %get3A_65 : vector<1x16xf32> to vector<1x16xf32>
        %reshape3A_67 = vector.shape_cast %get3A_66 : vector<1x16xf32> to vector<16xf32>
        %mul3A_68 = arith.constant 4 : i32
        %mul3A_69 = arith.muli %scan3A_40, %mul3A_68 : i32
        %add3A_70 = arith.constant 3 : i32
        %add3A_71 = arith.addi %mul3A_69, %add3A_70 : i32
        %get3A_72 = arith.index_cast %add3A_71 : i32 to index
        %get3A_73 = arith.constant 0 : index
        %get3A_74 = tpu.vector_load %arg12[%get3A_72, %get3A_73] {strides = array<i32>} : memref<200x16xf32, #tpu.memory_space<vmem>>, vector<1x16xf32>,
        %get3A_75 = vector.shape_cast %get3A_74 : vector<1x16xf32> to vector<1x16xf32>
        %reshape3A_76 = vector.shape_cast %get3A_75 : vector<1x16xf32> to vector<16xf32>
        %min3A = arith.minimumf %get3A_18, %reshape3A_67 : vector<16xf32>
        %max3A = arith.maximumf %get3A_12, %reshape3A : vector<16xf32>
        %sub3A_77 = arith.subf %min3A, %max3A : vector<16xf32>
        %add3A_78 = arith.constant 1.000000e+00 : f32
        %add3A_79 = vector.broadcast %add3A_78 : f32 to vector<16xf32>
        %add3A_80 = arith.addf %sub3A_77, %add3A_79 : vector<16xf32>
        %max3A_81 = arith.constant 0.000000e+00 : f32
        %max3A_82 = vector.broadcast %max3A_81 : f32 to vector<16xf32>
        %max3A_83 = arith.maximumf %add3A_80, %max3A_82 : vector<16xf32>
        %min3A_84 = arith.minimumf %get3A_21, %reshape3A_76 : vector<16xf32>
        %max3A_85 = arith.maximumf %get3A_15, %reshape3A_58 : vector<16xf32>
        %sub3A_86 = arith.subf %min3A_84, %max3A_85 : vector<16xf32>
        %add3A_87 = arith.constant 1.000000e+00 : f32
        %add3A_88 = vector.broadcast %add3A_87 : f32 to vector<16xf32>
        %add3A_89 = arith.addf %sub3A_86, %add3A_88 : vector<16xf32>
        %max3A_90 = arith.constant 0.000000e+00 : f32
        %max3A_91 = vector.broadcast %max3A_90 : f32 to vector<16xf32>
        %max3A_92 = arith.maximumf %add3A_89, %max3A_91 : vector<16xf32>
        %mul3A_93 = arith.mulf %max3A_83, %max3A_92 : vector<16xf32>
        %sub3A_94 = arith.subf %reshape3A_67, %reshape3A : vector<16xf32>
        %add3A_95 = arith.constant 1.000000e+00 : f32
        %add3A_96 = vector.broadcast %add3A_95 : f32 to vector<16xf32>
        %add3A_97 = arith.addf %sub3A_94, %add3A_96 : vector<16xf32>
        %sub3A_98 = arith.subf %reshape3A_76, %reshape3A_58 : vector<16xf32>
        %add3A_99 = arith.constant 1.000000e+00 : f32
        %add3A_100 = vector.broadcast %add3A_99 : f32 to vector<16xf32>
        %add3A_101 = arith.addf %sub3A_98, %add3A_100 : vector<16xf32>
        %mul3A_102 = arith.mulf %add3A_97, %add3A_101 : vector<16xf32>
        %add3A_103 = arith.addf %mul3A_29, %mul3A_102 : vector<16xf32>
        %sub3A_104 = arith.subf %add3A_103, %mul3A_93 : vector<16xf32>
        %div3A = arith.divf %mul3A_93, %sub3A_104 : vector<16xf32>
        %max3A_105 = arith.maximumf %scan3A_41, %div3A : vector<16xf32>
        scf.yield %max3A_105 : vector<16xf32>
      }
      %scan3A_36 = arith.constant 50 : i32
      %swap3A = arith.index_cast %mul3A_10 : i32 to index
      %swap3A_37 = tpu.vector_load %arg13[%swap3A] {strides = array<i32>} : memref<1152xf32, #tpu.memory_space<vmem>>, vector<16xf32>,
      %swap3A_38 = vector.shape_cast %swap3A_37 : vector<16xf32> to vector<16xf32>
      %swap3A_39 = vector.shape_cast %scan3A_35 : vector<16xf32> to vector<16xf32>
      tpu.vector_store %arg13[%swap3A], %swap3A_39 {strides = array<i32>} : memref<1152xf32, #tpu.memory_space<vmem>>, vector<16xf32>,
    }
    %scan3A_7 = arith.constant 72 : i32
    "tpu.region"() ({
      %run_scoped3A = tpu.sem_alloc : memref<!tpu.dma_semaphore, #tpu.memory_space<semaphore_mem>>
      %dma_start3A = tpu.memref_slice %arg7[%mul3A_2] : memref<36864xf32, #tpu.memory_space<hbm>> -> memref<1152xf32, #tpu.memory_space<hbm>>
      %dma_start3A_8 = tpu.memref_slice %arg7[%mul3A_2] : memref<36864xf32, #tpu.memory_space<hbm>> -> memref<1152xf32, #tpu.memory_space<hbm>>
      tpu.enqueue_dma source(%arg13 : memref<1152xf32, #tpu.memory_space<vmem>>) target(%dma_start3A_8 : memref<1152xf32, #tpu.memory_space<hbm>>) target_semaphore(%run_scoped3A : memref<!tpu.dma_semaphore, #tpu.memory_space<semaphore_mem>>)
      %dma_wait3A = tpu.memref_slice %arg7[%mul3A_2] : memref<36864xf32, #tpu.memory_space<hbm>> -> memref<1152xf32, #tpu.memory_space<hbm>>
      %dma_wait3A_9 = tpu.memref_slice %arg7[%mul3A_2] : memref<36864xf32, #tpu.memory_space<hbm>> -> memref<1152xf32, #tpu.memory_space<hbm>>
      tpu.wait_dma2 semaphore(%run_scoped3A : memref<!tpu.dma_semaphore, #tpu.memory_space<semaphore_mem>>) src(%arg13 : memref<1152xf32, #tpu.memory_space<vmem>>) dst(%dma_wait3A_9 : memref<1152xf32, #tpu.memory_space<hbm>>)
      tpu.yield
    }) : () -> ()
    return
  }
}

</mosaic_0001>

<sc_bundles>
// kernel: kernel.3.cloned.1.call-start
scs
__scs_entry_jumppad:
0x0: {  	(pc) =	sbr.rel $0x88, $3  }
0x1: {  	(tag) =	ssettag $0x0;
	lr =	simm.s32 $0x1  }
0x2: {  	[smem:$0x3FA0] =	sst lr;
	_ =	strace $0xD0000000  }
0x3: {  	_ = 	snop  }
0x4: {  	_ = 	snop  }
0x5: {  	_ = 	snop  }
0x6: {  	_ = 	snop  }
0x7: {  	_ = 	snop  }
__scs_overlays_trampoline_lowered:
0x8: {  	[smem:$0x3FAF] =	sst s0  }
0x9: {  	[smem:$0x3FB0] =	sst s1  }
0xa: {  	[smem:$0x3FB1] =	sst s2  }
0xb: {  	[smem:$0x3FB2] =	sst s3  }
0xc: {  	[smem:$0x3FB3] =	sst s4  }
0xd: {  	[smem:$0x3FB4] =	sst s5  }
0xe: {  	[smem:$0x3FB5] =	sst s6  }
0xf: {  	[smem:$0x3FB6] =	sst s7  }
0x10: {  	[smem:$0x3FB7] =	sst s8  }
0x11: {  	[smem:$0x3FB8] =	sst s9;
	s0 =	simm.s32 @!p0 $0x0  }
0x12: {  	s1 =	sld [smem:$0x3F9E];
	s0 =	simm.s32 @p0 $0x1  }
0x13: {  	[smem:$0x3FB9] =	sst s0;
	s0 =	simm.s32 @!p1 $0x0  }
0x14: {  	s2 =	sld [smem:$0x3F9D];
	s0 =	simm.s32 @p1 $0x1  }
0x15: {  	[smem:$0x3FBA] =	sst s0;
	s0 =	simm.s32 @!p2 $0x0  }
0x16: {  	s3 =	sld [smem:$0x3FDB];
	s0 =	simm.s32 @p2 $0x1  }
0x17: {  	s4 =	simm.s32 $0x1BF5;
	[smem:$0x3FBC] =	sst s0  }
0x18: {  	s0 =	sld [smem:$0x3F9F];
	_ =	swait.ge [sflag:s4], $0x0  }
0x19: {  	s7 =	sld [smem:$0x3FA0]  }
0x1a: {  	s8 =	sadd.s32 $0xFFFFE003, lr  }
0x1b: {  	s9 =	sadd.s32 $0xFFFFFEF7, lr;
	s5 =	simm.s32 $0xFFFFFFFF;
	p2 =	slt.u32 s8, $0xFFFFF086  }
0x1c: {  	p1 =	slt.u32 s9, $0xF7A;
	s5 =	simm.s32 @!p2 $0x0  }
0x1d: {  	s5 =	simm.s32 @p1 $0x1;
	p0 =	seq.s32 s7, s2  }
0x1e: {  	s7 =	smul.u32 @!p0 $0xF7A, s2;
	p2 =	seq.s32 @!p0 s5, $0x0  }
0x1f: {  	s9 =	smul.u32 $0xF7A, s1;
	s8 =	simm.s32 @!p0 $0x1BF5;
	p2 =	por !p2, p0  }
0x20: {  	[sflag:s8] =	ssyncset.s32 @!p0 $0xFFFFF086;
	s6 =	sadd.s32 @!p0 s3, s7;
	s7 =	simm.s32 @!p0 $0x108  }
0x21: {  	s3 =	sadd.s32 s3, s9;
	s6 =	sadd.s32 @!p0 $0x88, s6;
	s7 =	simm.s32 @p2 $0x1082  }
0x22: {  	[simem:s7], [sflag:s8] =	dma.local @!p0 [hbm:s6], $0xF7A  }
0x23: {  	s9 =	sor.u32 $0xD0000000, s2;
	s6 =	simm.s32 $0x108;
	_ =	swait.ge @!p0 [sflag:s8], $0x0  }
0x24: {  	s3 =	sadd.s32 $0x88, s3;
	s6 =	simm.s32 @!p1 $0x1082;
	[sflag:s4] =	ssyncset.s32 $0xFFFFF086  }
0x25: {  	[simem:s6], [sflag:s4] =	dma.local [hbm:s3], $0xF7A  }
0x26: {  	[smem:$0x3FA0] =	sst s1;
	(tag) =	ssettag s2;
	_ =	strace s9  }
0x27: {  	s1 =	sld [smem:$0x3FB0]  }
0x28: {  	s2 =	sld [smem:$0x3FB1]  }
0x29: {  	s4 =	sld [smem:$0x3FB3]  }
0x2a: {  	p0 =	seq.s32 s5, $0x0;
	s5 =	sld [smem:$0x3FB4]  }
0x2b: {  	s6 =	sld [smem:$0x3FB5]  }
0x2c: {  	s7 =	sld [smem:$0x3FB6]  }
0x2d: {  	s3 =	simm.s32 $0x108;
	s8 =	sld [smem:$0x3FB7]  }
0x2e: {  	s3 =	simm.s32 @!p0 $0x1082;
	s9 =	sld [smem:$0x3FB8]  }
0x2f: {  	lr =	sadd.s32 s0, s3;
	s0 =	sld [smem:$0x3FAF]  }
0x30: {  	s3 =	sld [smem:$0x3FB2]  }
0x31: {  	[smem:$0x3FBB] =	sst s10  }
0x32: {  	s10 =	sld [smem:$0x3FB9];
	_ =	sdelay $0x3  }
0x33: {  	p0 =	seq.s32 s10, $0x1;
	s10 =	sld [smem:$0x3FBB];
	_ =	sdelay $0x3  }
0x34: {  	[smem:$0x3FBB] =	sst s10  }
0x35: {  	s10 =	sld [smem:$0x3FBA];
	_ =	sdelay $0x3  }
0x36: {  	p1 =	seq.s32 s10, $0x1;
	s10 =	sld [smem:$0x3FBB];
	_ =	sdelay $0x3  }
0x37: {  	[smem:$0x3FBB] =	sst s10  }
0x38: {  	s10 =	sld [smem:$0x3FBC]  }
0x39: {  	_ = 	snop;
	(pc) =	sbr.ind lr, $3  }
0x3a: {  	_ = 	snop  }
0x3b: {  	_ = 	snop  }
0x3c: {  	p2 =	seq.s32 s10, $0x1;
	s10 =	sld [smem:$0x3FBB]  }
0x3d: {  	_ =	shalt  }
0x3e: {  	_ =	shalt  }
0x3f: {  	_ =	shalt  }
0x40: {  	_ =	shalt  }
0x41: {  	_ =	shalt  }
0x42: {  	_ =	shalt  }
0x43: {  	_ =	shalt  }
0x44: {  	_ =	shalt  }
0x45: {  	_ =	shalt  }
0x46: {  	_ =	shalt  }
0x47: {  	_ =	shalt  }
0x48: {  	_ =	shalt  }
0x49: {  	_ =	shalt  }
0x4a: {  	_ =	shalt  }
0x4b: {  	_ =	shalt  }
0x4c: {  	_ =	shalt  }
0x4d: {  	_ =	shalt  }
0x4e: {  	_ =	shalt  }
0x4f: {  	_ =	shalt  }
0x50: {  	_ =	shalt  }
0x51: {  	_ =	shalt  }
0x52: {  	_ =	shalt  }
0x53: {  	_ =	shalt  }
0x54: {  	_ =	shalt  }
0x55: {  	_ =	shalt  }
0x56: {  	_ =	shalt  }
0x57: {  	_ =	shalt  }
0x58: {  	_ =	shalt  }
0x59: {  	_ =	shalt  }
0x5a: {  	_ =	shalt  }
0x5b: {  	_ =	shalt  }
0x5c: {  	_ =	shalt  }
0x5d: {  	_ =	shalt  }
0x5e: {  	_ =	shalt  }
0x5f: {  	_ =	shalt  }
0x60: {  	_ =	shalt  }
0x61: {  	_ =	shalt  }
0x62: {  	_ =	shalt  }
0x63: {  	_ =	shalt  }
0x64: {  	_ =	shalt  }
0x65: {  	_ =	shalt  }
0x66: {  	_ =	shalt  }
0x67: {  	_ =	shalt  }
0x68: {  	_ =	shalt  }
0x69: {  	_ =	shalt  }
0x6a: {  	_ =	shalt  }
0x6b: {  	_ =	shalt  }
0x6c: {  	_ =	shalt  }
0x6d: {  	_ =	shalt  }
0x6e: {  	_ =	shalt  }
0x6f: {  	_ =	shalt  }
0x70: {  	_ =	shalt  }
0x71: {  	_ =	shalt  }
0x72: {  	_ =	shalt  }
0x73: {  	_ =	shalt  }
0x74: {  	_ =	shalt  }
0x75: {  	_ =	shalt  }
0x76: {  	_ =	shalt  }
0x77: {  	_ =	shalt  }
0x78: {  	_ =	shalt  }
0x79: {  	_ =	shalt  }
0x7a: {  	_ =	shalt  }
0x7b: {  	_ =	shalt  }
0x7c: {  	_ =	shalt  }
0x7d: {  	_ =	shalt  }
0x7e: {  	_ =	shalt  }
0x7f: {  	_ =	shalt  }
0x80: {  	_ =	shalt  }
0x81: {  	_ =	shalt  }
0x82: {  	_ =	shalt  }
0x83: {  	_ =	shalt  }
0x84: {  	_ =	shalt  }
0x85: {  	_ =	shalt  }
0x86: {  	_ =	shalt  }
0x87: {  	_ =	shalt  }
.Lfunc_end0:
.L_simem_size_0:
called_computation_lowered:
.L_overlay_start_0:
0x88: {  	s2 =	sld [smem:$0x3FD9]  }
0x89: {  	s3 =	sld [smem:$0x3FFE];
	_ =	sdelay $0x1  }
0x8a: {  	s1 =	srdreg.scid  }
0x8b: {  	s0 =	sand.u32 $0x1, s1  }
0x8c: {  	s17 =	sshll.u32 s0, $0xA;
	s2 =	sadd.s32 s3, s2  }
0x8d: {  	s2 =	sadd.s32 s2, s17  }
0x8e: {  	[smem:$0x3FC7] =	sst s2  }
0x8f: {  	_ = 	snop  }
0x90: {  	s2 =	sld [smem:$0x3FD0];
	(tm) =	ssettm $0x1  }
0x91: {  	s18 =	sld [smem:$0x3FFB];
	_ =	sdelay $0x3  }
0x92: {  	_ =	strace s18  }
0x93: {  	s3 =	sld [smem:$0x3FFC];
	_ =	sdelay $0x3  }
0x94: {  	_ =	strace s3  }
0x95: {  	s3 =	sld [smem:$0x3FFD];
	_ =	sdelay $0x3  }
0x96: {  	_ =	strace s3  }
0x97: {  	_ =	strace $0x8FFFFFFF  }
0x98: {  	s19 =	sld [smem:$0x3FDB];
	_ =	sdelay $0x1  }
0x99: {  	s4 =	simm.s32 $_scs_section_size  }
0x9a: {  	s5 =	simm.s32 $_size__tile_overlayer_lowered;
	s6 =	simm.s32 $_tile_overlayer_lowered  }
0x9b: {  	s22 =	simm.s32 $0x1BFF;
	s21 =	sshll.u32 s6, $0x1;
	s3 =	sadd.s32 s4, s19  }
0x9c: {  	s7 =	simm.s32 $0x0;
	s20 =	sshll.u32 s5, $0x1;
	s5 =	sadd.s32 s21, s3  }
0x9d: {  	[timem:s7], [sflag:s22] =	dma.local [hbm:s5], s20  }
0x9e: {  	_ =	swait.ge [sflag:s22], s20  }
0x9f: {  	s4 =	ssub.s32 $0x0, s20;
	[sflag:s22] =	ssyncset.done $0x0  }
0xa0: {  	[sflag:s22] =	ssyncadd.s32 s4;
	_ =	sdelay $0x1  }
0xa1: {  	s23 =	simm.s32 $0x1B8B  }
0xa2: {  	_ =	swait.ge [sflag:s23], $0x1  }
0xa3: {  	[sflag:s23] =	ssyncset.done $0x0  }
0xa4: {  	s25 =	simm.s32 $0x1B8E;
	s24 =	sld [smem:$0x3FFE];
	[sflag:s23] =	ssyncadd.s32 $0xFFFFFFFF  }
0xa5: {  	s26 =	simm.s32 $execute0_lowered;
	[smem:$0x3FD2] =	sst s25  }
0xa6: {  	s5 =	sshll.u32 s26, $0x1;
	_ =	strace $0x80000046;
	[dreg:$0x1] =	wrdreg $0xFFFFFFFF  }
0xa7: {  	s28 =	simm.s32 $_size_execute0_lowered;
	s3 =	sadd.s32 s3, s5;
	[dreg:$0x0] =	wrdreg $0x0  }
0xa8: {  	s5 =	sshll.u32 s28, $0x1;
	[dreg:$0x2] =	wrdreg s3  }
0xa9: {  	[dreg:$0x3] =	wrdreg s5  }
0xaa: {  	[dreg:$0x4] =	wrdreg $0xC0  }
0xab: {  	_ =	task [dreg:s7], $0x5FFFF  }
0xac: {  	[dreg:$0x1] =	wrdreg $0xFFFFFFFF  }
0xad: {  	[dreg:$0x0] =	wrdreg $0x60  }
0xae: {  	[dreg:$0x2] =	wrdreg s24  }
0xaf: {  	[dreg:$0x3] =	wrdreg s2  }
0xb0: {  	[dreg:$0x4] =	wrdreg $0x9  }
0xb1: {  	_ =	task.clear_ibuf [dreg:s7], $0x5FFFF;
	_ =	strace $0x90000046  }
0xb2: {  	s29 =	simm.s32 $0x9;
	_ =	strace $0x80000048  }
0xb3: {  	_ =	swait.ge [sflag:s29], $0x1  }
0xb4: {  	[sflag:s29] =	ssyncadd.s32 $0xFFFFFFFF  }
0xb5: {  	_ =	strace $0x90000048  }
0xb6: {  	_ =	sfence  }
0xb7: {  	s30 =	sld [smem:$0x0];
	_ =	sdelay $0x2  }
0xb8: {  	s31 =	sshll.u32 s1, $0xD;
	s1 =	sshrl.u32 s1, $0x2  }
0xb9: {  	s3 =	sand.u32 $0x4000, s31;
	s1 =	sadd.s32 s1, s30  }
0xba: {  	s0 =	sor.u32 s3, s0;
	s1 =	sshll.u32 s1, $0x11  }
0xbb: {  	s0 =	sor.u32 s1, s0  }
0xbc: {  	s0 =	sadd.s32 $0x8F2B, s0  }
0xbd: {  	[sflag:s0] =	ssyncadd.remote.s32 $0x1  }
0xbe: {  	_ =	sfence.sel $0xFFFF  }
0xbf: {  	[dreg:$0x0] =	wrdreg $0xFFFFFFFF;
	(pc) =	sbr.abs _section_cstart, $3  }
0xc0: {  	[dreg:$0x1] =	wrdreg $0xFFFFFFFF  }
0xc1: {  	_ =	task.clear_ibuf [dreg:s7], $0x2FFFF;
	_ =	strace $0x9FFFFFFF  }
0xc2: {  	(tm) =	ssettm $0x7FFFFFFF  }
0xc3: {  	_ =	shalt  }
tec
execute0_lowered:
.L_overlay_start_1:
0x0: {  	(tag) =	ssettag $0x1  }
0x1: {  	s1 =	srdreg.scid  }
0x2: {  	s0 =	stileid.u32;
	s3 =	rddreg [dreg:$0x0]  }
0x3: {  	s8 =	rddreg [dreg:$0x1];
	s2 =	simm.s32 $0x0;
	s11 =	simm.s32 $0x480  }
0x4: {  	s12 =	simm.s32 $0x900;
	s13 =	simm.s32 $0xD80;
	s14 =	simm.s32 $0x1200  }
0x5: {  	s15 =	simm.s32 $0x7600;
	s4 =	sand.u32 $0x1, s1;
	s30 =	sshll.u32 s0, $0x1  }
0x6: {  	s16 =	simm.s32 $0x0;
	s5 =	sor.u32 s4, s30;
	s4 =	ssub.s32 $0x2, s4  }
0x7: {  	[smem:$0x7FF] =	sst s2;
	s9 =	smul.u32 $0x90, s5;
	s31 =	sshrl.u32 s4, $0x1  }
0x8: {  	s1 =	rddreg [dreg:$0x2];
	_ =	strace $0x80000047;
	s10 =	ssub.s32 s4, s31  }
0x9: {  	s7 =	sadd.s32 s9, s3;
	s3 =	sadd.s32 $0xC00, s3;
	s8 =	sadd.s32 s8, s9  }
0xa: {  	s9 =	smax.u32 s10, $0x1;
	s10 =	simm.s32 $0x1;
	s4 =	sadd.s32 $0x1A00, s7  }
0xb: {  	s5 =	sadd.s32 $0x2C00, s7;
	s6 =	sadd.s32 $0x3E00, s7;
	s7 =	sadd.s32 $0x5000, s7  }
.LBB2_1:
0xc: {  	[tilespmem:s2], [sflag:$0x1] =	stream.linear.gather [hbm4b:s4+s2], $0x480, $0x38;
	[tilespmem:$0x7A80] =	vst v63  }
0xd: {  	_ =	swait.ge [sflag:s10], $0x480  }
0xe: {  	[sflag:s10] =	ssyncset.done $0x0  }
0xf: {  	[sflag:s10] =	ssyncadd.s32 $0xFFFFFB80  }
0x10: {  	[tilespmem:s11], [sflag:$0x1] =	stream.linear.gather [hbm4b:s5+s2], $0x480, $0x38;
	[tilespmem:$0x7A80] =	vst v63  }
0x11: {  	_ =	swait.ge [sflag:s10], $0x480  }
0x12: {  	[sflag:s10] =	ssyncset.done $0x0  }
0x13: {  	[sflag:s10] =	ssyncadd.s32 $0xFFFFFB80  }
0x14: {  	[tilespmem:s12], [sflag:$0x1] =	stream.linear.gather [hbm4b:s6+s2], $0x480, $0x38;
	[tilespmem:$0x7A80] =	vst v63  }
0x15: {  	_ =	swait.ge [sflag:s10], $0x480  }
0x16: {  	[sflag:s10] =	ssyncset.done $0x0  }
0x17: {  	[sflag:s10] =	ssyncadd.s32 $0xFFFFFB80  }
0x18: {  	[tilespmem:s13], [sflag:$0x1] =	stream.linear.gather [hbm4b:s7+s2], $0x480, $0x38;
	[tilespmem:$0x7A80] =	vst v63  }
0x19: {  	_ =	swait.ge [sflag:s10], $0x480  }
0x1a: {  	[sflag:s10] =	ssyncset.done $0x0  }
0x1b: {  	[sflag:s10] =	ssyncadd.s32 $0xFFFFFB80  }
0x1c: {  	[tilespmem:s14], [sflag:$0x1] =	stream.linear.gather [hbm4b:s3+s2], $0x6400, $0x38;
	[tilespmem:$0x7A80] =	vst v63  }
0x1d: {  	_ =	swait.ge [sflag:s10], $0x6400  }
0x1e: {  	[sflag:s10] =	ssyncset.done $0x0  }
0x1f: {  	s17 =	simm.s32 $0x0;
	[sflag:s10] =	ssyncadd.s32 $0xFFFF9C00  }
.LBB2_2:
0x20: {  	s18 =	sshll.u32 s17, $0x4  }
0x21: {  	v1 =	vld [tilespmem:s18+$0x0]  }
0x22: {  	v0 =	vld [tilespmem:s18+$0x480]  }
0x23: {  	v3 =	vld [tilespmem:s18+$0x900]  }
0x24: {  	s19 =	simm.s32 $0x0;
	v2 =	vld [tilespmem:s18+$0xD80]  }
0x25: {  	v4 =	vld [tilespmem:s19+$0x1300]  }
0x26: {  	v5 =	vld [tilespmem:s19+$0x1200]  }
0x27: {  	v6 =	vld [tilespmem:s19+$0x1380]  }
0x28: {  	v7 =	vld [tilespmem:s19+$0x1280];
	_ =	sdelay $0x2  }
0x29: {  	s30 =	simm.s32 $0x200;
	v8 =	vsub.f32 v3, v1;
	v9 =	vsub.f32 v2, v0  }
0x2a: {  	v15 =	vld [tilespmem:s30+$0x1380];
	v11 =	vmin.f32 v3, v4;
	v12 =	vmax.f32 v1, v5;
	v13 =	vmin.f32 v2, v6  }
0x2b: {  	v10 =	vld [tilespmem:s30+$0x1300];
	v4 =	vsub.f32 v4, v5;
	v5 =	vmax.f32 v0, v7;
	v6 =	vsub.f32 v6, v7  }
0x2c: {  	v14 =	vld [tilespmem:s30+$0x1200];
	v7 =	vsub.f32 v11, v12;
	v5 =	vsub.f32 v13, v5  }
0x2d: {  	v8 =	vadd.f32 $1.000000000e+00, v8;
	v9 =	vadd.f32 $1.000000000e+00, v9  }
0x2e: {  	v11 =	vld [tilespmem:s30+$0x1280];
	v12 =	vadd.f32 $1.000000000e+00, v4;
	v6 =	vadd.f32 $1.000000000e+00, v6  }
0x2f: {  	v13 =	vmin.f32 v2, v15;
	v7 =	vadd.f32 $1.000000000e+00, v7;
	v5 =	vadd.f32 $1.000000000e+00, v5  }
0x30: {  	v4 =	vmul.f32 v9, v8;
	v8 =	vmin.f32 v3, v10;
	v6 =	vmul.f32 v6, v12  }
0x31: {  	v9 =	vmax.f32 v1, v14;
	v7 =	vmax.f32 v7, $0.0e+00;
	v5 =	vmax.f32 v5, $0.0e+00  }
0x32: {  	s31 =	simm.s32 $0x400;
	v10 =	vsub.f32 v10, v14;
	v5 =	vmul.f32 v5, v7;
	v6 =	vadd.f32 v6, v4  }
0x33: {  	v16 =	vld [tilespmem:s31+$0x1200];
	v7 =	vsub.f32 v8, v9;
	v8 =	vmax.f32 v0, v11;
	v9 =	vsub.f32 v15, v11  }
0x34: {  	v12 =	vld [tilespmem:s31+$0x1300];
	v10 =	vadd.f32 $1.000000000e+00, v10;
	v8 =	vsub.f32 v13, v8  }
0x35: {  	v14 =	vld [tilespmem:s31+$0x1380];
	v11 =	vsub.f32 v6, v5;
	v9 =	vadd.f32 $1.000000000e+00, v9  }
0x36: {  	v15 =	vld [tilespmem:s31+$0x1280];
	v7 =	vadd.f32 $1.000000000e+00, v7;
	v8 =	vadd.f32 $1.000000000e+00, v8  }
0x37: {  	s19 =	simm.s32 $0x600;
	(erf) = vrcp.f32 v11  }
0x38: {  	v10 =	vmul.f32 v9, v10;
	v7 =	vmax.f32 v7, $0.0e+00;
	v9 =	vld [tilespmem:s19+$0x1300];
	v8 =	vmax.f32 v8, $0.0e+00  }
0x39: {  	v17 =	vmax.f32 v1, v16;
	v13 =	vmin.f32 v3, v12;
	v7 =	vmul.f32 v8, v7;
	v8 =	vld [tilespmem:s19+$0x1200]  }
0x3a: {  	v18 =	vmin.f32 v2, v14;
	v12 =	vsub.f32 v12, v16;
	v16 =	vadd.f32 v10, v4;
	v10 =	vld [tilespmem:s19+$0x1380]  }
0x3b: {  	v13 =	vsub.f32 v13, v17;
	v17 =	vmax.f32 v0, v15;
	v14 =	vsub.f32 v14, v15  }
0x3c: {  	s20 =	simm.s32 $0x2000;
	v6 =	vimm.f32 $0.0e+00;
	v15 =	vsub.f32 v18, v17;
	v11 =	vsub.f32 v16, v7  }
.LBB2_3:
0x3d: {  	p0 =	sne.s32 s20, $0x18800;
	v16 =	vld [tilespmem:s19+$0x1280];
	v17 =	vmin.f32 v3, v9;
	v12 =	vadd.f32 $1.000000000e+00, v12;
	v14 =	vadd.f32 $1.000000000e+00, v14;
	v18 =	vmovc v9  }
0x3e: {  	s19 =	sshra.s32 s20, $0x2;
	v13 =	vadd.f32 $1.000000000e+00, v13;
	v15 =	vadd.f32 $1.000000000e+00, v15;
	(erf) = vrcp.f32 v11  }
.Ltmp0:
0x3f: {  	v11 =	vmax.f32 v1, v8;
	v9 =	vld [tilespmem:s19+$0x1300];
	v19 =	vmin.f32 v2, v10;
	v14 =	vmul.f32 v14, v12;
	v20 =	vmovc v10;
	(pc) =	sbr.rel @p0 .LBB2_3-.Ltmp0, $4  }
0x40: {  	v12 =	vsub.f32 v18, v8;
	v13 =	vmax.f32 v13, $0.0e+00;
	v8 =	vld [tilespmem:s19+$0x1200];
	v15 =	vmax.f32 v15, $0.0e+00;
	v18 =	vpop (erf)  }
0x41: {  	v10 =	vld [tilespmem:s19+$0x1380];
	v21 =	vadd.f32 v14, v4;
	v18 =	vmul.f32 v18, v5;
	v5 =	vmovc v7;
	v7 =	vmul.f32 v15, v13  }
0x42: {  	v13 =	vsub.f32 v17, v11;
	v11 =	vmax.f32 v0, v16;
	v14 =	vsub.f32 v20, v16  }
0x43: {  	s20 =	sadd.s32 $0x800, s20;
	v15 =	vsub.f32 v19, v11;
	v11 =	vsub.f32 v21, v7;
	v6 =	vmax.f32 v6, v18  }
0x44: {  	v16 =	vld [tilespmem:s19+$0x1280];
	_ =	sdelay $0x1  }
0x45: {  	v12 =	vadd.f32 $1.000000000e+00, v12  }
0x46: {  	v3 =	vmin.f32 v3, v9;
	v14 =	vadd.f32 $1.000000000e+00, v14;
	v13 =	vadd.f32 $1.000000000e+00, v13  }
0x47: {  	v15 =	vadd.f32 $1.000000000e+00, v15;
	v1 =	vmax.f32 v1, v8;
	v50 =	vsub.f32 v9, v8  }
0x48: {  	v2 =	vmin.f32 v2, v10;
	v0 =	vmax.f32 v0, v16;
	v51 =	vsub.f32 v10, v16  }
0x49: {  	v1 =	vsub.f32 v3, v1;
	v0 =	vsub.f32 v2, v0  }
0x4a: {  	v52 =	vmul.f32 v14, v12;
	v54 =	vadd.f32 $1.000000000e+00, v50;
	v55 =	vadd.f32 $1.000000000e+00, v51  }
0x4b: {  	v53 =	vmax.f32 v13, $0.0e+00;
	v1 =	vadd.f32 $1.000000000e+00, v1;
	v0 =	vadd.f32 $1.000000000e+00, v0  }
0x4c: {  	v56 =	vmax.f32 v15, $0.0e+00;
	v57 =	vadd.f32 v52, v4;
	v3 =	vmul.f32 v55, v54  }
0x4d: {  	v2 =	vmul.f32 v56, v53;
	v1 =	vmax.f32 v1, $0.0e+00;
	v0 =	vmax.f32 v0, $0.0e+00  }
0x4e: {  	v0 =	vmul.f32 v0, v1;
	v58 =	vadd.f32 v3, v4  }
0x4f: {  	v59 =	vsub.f32 v57, v2  }
0x50: {  	(erf) = vrcp.f32 v11;
	v1 =	vsub.f32 v58, v0  }
0x51: {  	(erf) = vrcp.f32 v59  }
0x52: {  	(erf) = vrcp.f32 v1;
	_ =	sdelay $0x5  }
0x53: {  	v60 =	vpop (erf)  }
0x54: {  	s17 =	sadd.s32 $0x1, s17;
	v61 =	vpop (erf);
	v1 =	vmul.f32 v60, v5  }
0x55: {  	p0 =	sne.s32 s17, $0x48;
	v3 =	vmul.f32 v61, v7;
	v62 =	vpop (erf)  }
.Ltmp1:
0x56: {  	v1 =	vmax.f32 v6, v1;
	v2 =	vmul.f32 v62, v2;
	v63 =	vpop (erf);
	(pc) =	sbr.rel @p0 .LBB2_2-.Ltmp1, $4  }
0x57: {  	v1 =	vmax.f32 v1, v3;
	v0 =	vmul.f32 v63, v0  }
0x58: {  	v1 =	vmax.f32 v1, v2  }
0x59: {  	v0 =	vmax.f32 v1, v0  }
0x5a: {  	[tilespmem:s18+$0x7600] =	vst v0  }
0x5b: {  	s16 =	sadd.s32 $0x1, s16  }
0x5c: {  	p0 =	sne.s32 s16, s9  }
.Ltmp2:
0x5d: {  	_ = 	snop;
	(pc) =	sbr.rel @p0 .LBB2_1-.Ltmp2, $4  }
0x5e: {  	[hbm4b:s8+s2] =	stream.linear.scatter [tilespmem:s15], [sflag:$0x1], $0x480, $0x38;
	[tilespmem:$0x7A80] =	vst v63  }
0x5f: {  	_ =	swait.ge [sflag:s10], $0x480  }
0x60: {  	[sflag:s10] =	ssyncset.done $0x0  }
0x61: {  	[sflag:s10] =	ssyncadd.s32 $0xFFFFFB80  }
0x62: {  	_ =	sfence.sel $0x180000  }
0x63: {  	[bflag:$0x0] =	sbarrier.arrive $0xFFFF  }
0x64: {  	p0 =	sne.s32 s0, $0x0;
	_ =	strace $0x90000047  }
0x65: {  	s0 =	sadd.s32 @!p0 $0x100000, s1;
	[bflag:$0x2] =	sbarrier.arrive $0xFFFF  }
0x66: {  	[sflag:s0] =	ssyncadd.tile.s32 @!p0 $0x1;
	_ =	shalt  }
.Lfunc_end2:
_tile_overlayer_lowered:
.L_overlay_start_2:
0x67: {  	(tag) =	ssettag $0x2  }
0x68: {  	s0 =	rddreg [dreg:$0x0];
	s2 =	stileid.u32  }
0x69: {  	s1 =	rddreg [dreg:$0x1];
	p0 =	sne.s32 s2, $0x0  }
0x6a: {  	s3 =	rddreg [dreg:$0x2];
	[bflag:$0x3] =	sbarrier.arrive $0xFFFF;
	s2 =	simm.s32 @!p0 $0x1C01  }
0x6b: {  	[timem:s3], [sflag:s2] =	dma.local @!p0 [hbm:s0], s1  }
0x6c: {  	s0 =	simm.s32 @!p0 $0x1  }
0x6d: {  	_ =	swait.ge @!p0 [sflag:s0], s1  }
0x6e: {  	s1 =	ssub.s32 @!p0 $0x0, s1;
	[sflag:s0] =	ssyncset.done @!p0 $0x0  }
0x6f: {  	[sflag:s0] =	ssyncadd.s32 @!p0 s1  }
0x70: {  	[bflag:$0x3] =	sbarrier.arrive $0xFFFF  }
0x71: {  	_ =	shalt  }

</sc_bundles>
